<compile_context>
chip_gen: v7x
topology: tpu7x:2x2x1
jax: 0.10.2.dev20260603
libtpu: 0.0.44.dev20260713+nightly
codegen_flags: <defaults>
</compile_context>

<pallas_src>
import functools

import jax
import jax.numpy as jnp
from jax import lax
from jax.experimental import pallas as pl
from jax.experimental.pallas import tpu as pltpu
from jax.experimental.pallas import tpu_sc as plsc

_B = 131072
_S = 128
_SPLIT = 0.55
_L = 16
_NW = 32
_RPW = _B // _NW
_SCAN = 8
_NBLK = _RPW // 128
_GPB = 128 // _L


def _sc_body(w8_hbm, st_hbm, en_hbm, out_hbm,
             w_v, w2_v, idxw_v, idxd_v, sd_v, ed_v, o_v,
             sem_w, sem_d, sem_f):
    wid = lax.axis_index("s") * 2 + lax.axis_index("c")
    base = wid * _RPW
    iota = lax.broadcasted_iota(jnp.int32, (_L,), 0)

    def fire_body(j, _):
        for u in range(8):
            sl = pl.ds(j * 128 + u * _L, _L)
            idxw_v[sl] = (base + j * 128 + u * _L + iota) * 8
        pltpu.async_copy(
            w8_hbm.at[idxw_v.at[pl.ds(j * 128, 128)]],
            w_v.at[pl.ds(j * 128, 128), :], sem_w)
        return None

    lax.fori_loop(0, _NBLK, fire_body, None)

    def scan_steps(src_ref, row, acc, cnt, steps):
        for t in range(steps):
            col = jnp.full((_L,), t, jnp.int32)
            w = plsc.load_gather(src_ref, [row, col])
            acc = acc + w
            cnt = cnt + jnp.where(acc < _SPLIT, 1, 0)
        return acc, cnt

    def tail(g, row, cnt):
        idx = jnp.minimum(cnt, _S - 1)
        idxd_v[pl.ds(g * _L, _L)] = (base + row) * _S + idx
        need = jnp.max(cnt) >= _SCAN

        def slow(_):
            def fb_cond(carry):
                c, _a, _n, m = carry
                return jnp.logical_and(c < _S // _L, m < _SPLIT)

            def fb_body(carry):
                c, a, n, _m = carry
                rows8 = (base + g * _L + iota) * 8 + c
                pltpu.async_copy(w8_hbm.at[rows8], w2_v, sem_f).wait()
                a, n = scan_steps(w2_v, iota, a, n, _L)
                return (c + 1, a, n, jnp.min(a))

            carry_out = lax.while_loop(
                fb_cond, fb_body,
                (jnp.int32(0), jnp.zeros((_L,), jnp.float32),
                 jnp.zeros((_L,), jnp.int32), jnp.float32(0.0)))
            cnt2 = carry_out[2]
            idx2 = jnp.minimum(cnt2, _S - 1)
            idxd_v[pl.ds(g * _L, _L)] = (base + row) * _S + idx2
            return 0

        lax.cond(need, slow, lambda _: 0, None)

    def block_body(j, _):
        pltpu.make_async_copy(
            w8_hbm.at[idxw_v.at[pl.ds(j * 128, 128)]],
            w_v.at[pl.ds(j * 128, 128), :], sem_w).wait()

        def pair_body(k, _):
            ga = j * _GPB + 2 * k
            gb = ga + 1
            row_a = ga * _L + iota
            row_b = gb * _L + iota
            idxd_v[pl.ds(ga * _L, _L)] = (base + row_a) * _S
            idxd_v[pl.ds(gb * _L, _L)] = (base + row_b) * _S
            return None

        lax.fori_loop(0, _GPB // 2, pair_body, None)

        sl = pl.ds(j * 128, 128)
        pltpu.async_copy(st_hbm.at[idxd_v.at[sl]], sd_v.at[sl], sem_d)
        pltpu.async_copy(en_hbm.at[idxd_v.at[sl]], ed_v.at[sl], sem_d)
        return None

    lax.fori_loop(0, _NBLK, block_body, None)

    def drain_body(j, _):
        sl = pl.ds(j * 128, 128)
        pltpu.make_async_copy(st_hbm.at[idxd_v.at[sl]], sd_v.at[sl], sem_d).wait()
        pltpu.make_async_copy(en_hbm.at[idxd_v.at[sl]], ed_v.at[sl], sem_d).wait()
        return None

    lax.fori_loop(0, _NBLK, drain_body, None)

    def avg_body(k, _):
        sl = pl.ds(k * _L, _L)
        o_v[sl] = (sd_v[sl] + ed_v[sl]) * 0.5
        return None

    lax.fori_loop(0, _RPW // _L, avg_body, None)
    pltpu.sync_copy(o_v, out_hbm.at[pl.ds(base, _RPW)])


@jax.jit
def _sc_call(w8, st_flat, en_flat):
    mesh = plsc.VectorSubcoreMesh(core_axis_name="c", subcore_axis_name="s")
    f = pl.kernel(
        _sc_body,
        out_type=jax.ShapeDtypeStruct((_B,), jnp.float32),
        mesh=mesh,
        scratch_types=[
            pltpu.VMEM((_RPW, _L), jnp.float32),
            pltpu.VMEM((_L, _L), jnp.float32),
            pltpu.VMEM((_RPW,), jnp.int32),
            pltpu.VMEM((_RPW,), jnp.int32),
            pltpu.VMEM((_RPW,), jnp.float32),
            pltpu.VMEM((_RPW,), jnp.float32),
            pltpu.VMEM((_RPW,), jnp.float32),
            pltpu.SemaphoreType.DMA,
            pltpu.SemaphoreType.DMA,
            pltpu.SemaphoreType.DMA,
        ],
        compiler_params=pltpu.CompilerParams(
            use_tc_tiling_on_sc=False, needs_layout_passes=False),
    )
    return f(w8, st_flat, en_flat)


def kernel(weights, starts, ends):
    B = weights.shape[0]
    w8 = weights.reshape(B * 8, 16)
    st_flat = starts.reshape(-1)
    en_flat = ends.reshape(-1)
    out = _sc_call(w8, st_flat, en_flat)
    return out.reshape(B, 1)

# --- scband reference (transcript-rebuilt; emitter-appended) ---
"""Pipeline reference for scband-under-water-depth-renderer-19413252178653 (READ-ONLY COPY).

The authoritative reference and input builder live on the scoring server;
editing this copy changes nothing except your own understanding.
"""

import jax, jax.numpy as jnp
import numpy as np


def setup_inputs(seed: int = 0) -> dict:
    key = jax.random.key(seed)
    k1, k2, k3 = jax.random.split(key, 3)
    B, S = 131072, 128
    weights = jax.random.uniform(k1, (B, S, 1), dtype=jnp.float32)
    starts = jax.random.uniform(k2, (B, S, 1), dtype=jnp.float32)
    ends = jax.random.uniform(k3, (B, S, 1), dtype=jnp.float32)
    return {"weights": weights, "starts": starts, "ends": ends}


def reference(weights, starts, ends):
    # steps = midpoint of each frustum along the ray
    steps = (starts + ends) / 2.0
    # method == 'median' branch of UnderWaterDepthRenderer
    cumulative_weights = jnp.cumsum(weights[..., 0], axis=-1)  # [*batch, S]
    split = jnp.full(weights.shape[:-2] + (1,), 0.55, dtype=weights.dtype)  # [*batch, 1]
    # torch.searchsorted(a, v, side='left') on a sorted-ascending cumsum ==
    # number of entries strictly less than v
    median_index = jnp.sum((cumulative_weights < split).astype(jnp.int32), axis=-1, keepdims=True)
    median_index = jnp.clip(median_index, 0, steps.shape[-2] - 1)
    median_depth = jnp.take_along_axis(steps[..., 0], median_index, axis=-1)  # [*batch, 1]
    return median_depth

if __name__ == "__main__":
    import jax
    _d = setup_inputs()
    print(jax.jit(kernel)(*tuple(_d.values())))

</pallas_src>

<mosaic_0001>
#map = affine_map<(d0, d1) -> (0, 0)>
#map1 = affine_map<(d0, d1) -> (0)>
module attributes {stable_mosaic.version = 14 : i64} {
  func.func @_sc_body(%arg0: i32, %arg1: i32, %arg2: memref<1048576x16xf32, #tpu.memory_space<hbm>>, %arg3: memref<16777216xf32, #tpu.memory_space<hbm>>, %arg4: memref<16777216xf32, #tpu.memory_space<hbm>>, %arg5: memref<131072xf32, #tpu.memory_space<hbm>>, %arg6: memref<4096x16xf32, #tpu.memory_space<vmem>>, %arg7: memref<16x16xf32, #tpu.memory_space<vmem>>, %arg8: memref<4096xi32, #tpu.memory_space<vmem>>, %arg9: memref<4096xi32, #tpu.memory_space<vmem>>, %arg10: memref<4096xf32, #tpu.memory_space<vmem>>, %arg11: memref<4096xf32, #tpu.memory_space<vmem>>, %arg12: memref<4096xf32, #tpu.memory_space<vmem>>, %arg13: memref<!tpu.dma_semaphore, #tpu.memory_space<semaphore_mem>>, %arg14: memref<!tpu.dma_semaphore, #tpu.memory_space<semaphore_mem>>, %arg15: memref<!tpu.dma_semaphore, #tpu.memory_space<semaphore_mem>>) attributes {dimension_semantics = [#tpu.dimension_semantics<core_parallel>, #tpu.dimension_semantics<subcore_parallel>], iteration_bounds = array<i64: 2, 16>, scalar_prefetch = 0 : i64, scratch_operands = 10 : i64, tpu.core_type = #tpu.core_type<sc_vector_subcore>, window_params = [{transform_indices = #map}, {transform_indices = #map1}, {transform_indices = #map1}, {transform_indices = #map1}]} {
    %mul3A = arith.constant 2 : i32
    %mul3A_0 = arith.muli %arg1, %mul3A : i32
    %add3A = arith.addi %mul3A_0, %arg0 : i32
    %mul3A_1 = arith.constant 4096 : i32
    %mul3A_2 = arith.muli %add3A, %mul3A_1 : i32
    %iota3A = tpu.iota {dimensions = array<i32: 0>} : vector<16xi32>
    %scan3A = arith.constant 0 : i32
    %scan3A_3 = arith.constant 32 : i32
    %scan3A_4 = arith.addi %scan3A, %scan3A_3 : i32
    %scan3A_5 = arith.constant 1 : i32
    scf.for %scan3A_22 = %scan3A to %scan3A_4 step %scan3A_5  : i32 {
      %mul3A_23 = arith.constant 128 : i32
      %mul3A_24 = arith.muli %scan3A_22, %mul3A_23 : i32
      %add3A_25 = arith.constant 0 : i32
      %add3A_26 = arith.addi %mul3A_24, %add3A_25 : i32
      %mul3A_27 = arith.constant 128 : i32
      %mul3A_28 = arith.muli %scan3A_22, %mul3A_27 : i32
      %add3A_29 = arith.addi %mul3A_2, %mul3A_28 : i32
      %add3A_30 = arith.constant 0 : i32
      %add3A_31 = arith.addi %add3A_29, %add3A_30 : i32
      %add3A_32 = vector.broadcast %add3A_31 : i32 to vector<16xi32>
      %add3A_33 = arith.addi %add3A_32, %iota3A : vector<16xi32>
      %mul3A_34 = arith.constant 8 : i32
      %mul3A_35 = vector.broadcast %mul3A_34 : i32 to vector<16xi32>
      %mul3A_36 = arith.muli %add3A_33, %mul3A_35 : vector<16xi32>
      %swap3A = arith.index_cast %add3A_26 : i32 to index
      %swap3A_37 = tpu.vector_load %arg8[%swap3A] {strides = array<i32>} : memref<4096xi32, #tpu.memory_space<vmem>>, vector<16xi32>,
      tpu.vector_store %arg8[%swap3A], %mul3A_36 {strides = array<i32>} : memref<4096xi32, #tpu.memory_space<vmem>>, vector<16xi32>,
      %mul3A_38 = arith.constant 128 : i32
      %mul3A_39 = arith.muli %scan3A_22, %mul3A_38 : i32
      %add3A_40 = arith.constant 16 : i32
      %add3A_41 = arith.addi %mul3A_39, %add3A_40 : i32
      %mul3A_42 = arith.constant 128 : i32
      %mul3A_43 = arith.muli %scan3A_22, %mul3A_42 : i32
      %add3A_44 = arith.addi %mul3A_2, %mul3A_43 : i32
      %add3A_45 = arith.constant 16 : i32
      %add3A_46 = arith.addi %add3A_44, %add3A_45 : i32
      %add3A_47 = vector.broadcast %add3A_46 : i32 to vector<16xi32>
      %add3A_48 = arith.addi %add3A_47, %iota3A : vector<16xi32>
      %mul3A_49 = arith.constant 8 : i32
      %mul3A_50 = vector.broadcast %mul3A_49 : i32 to vector<16xi32>
      %mul3A_51 = arith.muli %add3A_48, %mul3A_50 : vector<16xi32>
      %swap3A_52 = arith.index_cast %add3A_41 : i32 to index
      %swap3A_53 = tpu.vector_load %arg8[%swap3A_52] {strides = array<i32>} : memref<4096xi32, #tpu.memory_space<vmem>>, vector<16xi32>,
      tpu.vector_store %arg8[%swap3A_52], %mul3A_51 {strides = array<i32>} : memref<4096xi32, #tpu.memory_space<vmem>>, vector<16xi32>,
      %mul3A_54 = arith.constant 128 : i32
      %mul3A_55 = arith.muli %scan3A_22, %mul3A_54 : i32
      %add3A_56 = arith.constant 32 : i32
      %add3A_57 = arith.addi %mul3A_55, %add3A_56 : i32
      %mul3A_58 = arith.constant 128 : i32
      %mul3A_59 = arith.muli %scan3A_22, %mul3A_58 : i32
      %add3A_60 = arith.addi %mul3A_2, %mul3A_59 : i32
      %add3A_61 = arith.constant 32 : i32
      %add3A_62 = arith.addi %add3A_60, %add3A_61 : i32
      %add3A_63 = vector.broadcast %add3A_62 : i32 to vector<16xi32>
      %add3A_64 = arith.addi %add3A_63, %iota3A : vector<16xi32>
      %mul3A_65 = arith.constant 8 : i32
      %mul3A_66 = vector.broadcast %mul3A_65 : i32 to vector<16xi32>
      %mul3A_67 = arith.muli %add3A_64, %mul3A_66 : vector<16xi32>
      %swap3A_68 = arith.index_cast %add3A_57 : i32 to index
      %swap3A_69 = tpu.vector_load %arg8[%swap3A_68] {strides = array<i32>} : memref<4096xi32, #tpu.memory_space<vmem>>, vector<16xi32>,
      tpu.vector_store %arg8[%swap3A_68], %mul3A_67 {strides = array<i32>} : memref<4096xi32, #tpu.memory_space<vmem>>, vector<16xi32>,
      %mul3A_70 = arith.constant 128 : i32
      %mul3A_71 = arith.muli %scan3A_22, %mul3A_70 : i32
      %add3A_72 = arith.constant 48 : i32
      %add3A_73 = arith.addi %mul3A_71, %add3A_72 : i32
      %mul3A_74 = arith.constant 128 : i32
      %mul3A_75 = arith.muli %scan3A_22, %mul3A_74 : i32
      %add3A_76 = arith.addi %mul3A_2, %mul3A_75 : i32
      %add3A_77 = arith.constant 48 : i32
      %add3A_78 = arith.addi %add3A_76, %add3A_77 : i32
      %add3A_79 = vector.broadcast %add3A_78 : i32 to vector<16xi32>
      %add3A_80 = arith.addi %add3A_79, %iota3A : vector<16xi32>
      %mul3A_81 = arith.constant 8 : i32
      %mul3A_82 = vector.broadcast %mul3A_81 : i32 to vector<16xi32>
      %mul3A_83 = arith.muli %add3A_80, %mul3A_82 : vector<16xi32>
      %swap3A_84 = arith.index_cast %add3A_73 : i32 to index
      %swap3A_85 = tpu.vector_load %arg8[%swap3A_84] {strides = array<i32>} : memref<4096xi32, #tpu.memory_space<vmem>>, vector<16xi32>,
      tpu.vector_store %arg8[%swap3A_84], %mul3A_83 {strides = array<i32>} : memref<4096xi32, #tpu.memory_space<vmem>>, vector<16xi32>,
      %mul3A_86 = arith.constant 128 : i32
      %mul3A_87 = arith.muli %scan3A_22, %mul3A_86 : i32
      %add3A_88 = arith.constant 64 : i32
      %add3A_89 = arith.addi %mul3A_87, %add3A_88 : i32
      %mul3A_90 = arith.constant 128 : i32
      %mul3A_91 = arith.muli %scan3A_22, %mul3A_90 : i32
      %add3A_92 = arith.addi %mul3A_2, %mul3A_91 : i32
      %add3A_93 = arith.constant 64 : i32
      %add3A_94 = arith.addi %add3A_92, %add3A_93 : i32
      %add3A_95 = vector.broadcast %add3A_94 : i32 to vector<16xi32>
      %add3A_96 = arith.addi %add3A_95, %iota3A : vector<16xi32>
      %mul3A_97 = arith.constant 8 : i32
      %mul3A_98 = vector.broadcast %mul3A_97 : i32 to vector<16xi32>
      %mul3A_99 = arith.muli %add3A_96, %mul3A_98 : vector<16xi32>
      %swap3A_100 = arith.index_cast %add3A_89 : i32 to index
      %swap3A_101 = tpu.vector_load %arg8[%swap3A_100] {strides = array<i32>} : memref<4096xi32, #tpu.memory_space<vmem>>, vector<16xi32>,
      tpu.vector_store %arg8[%swap3A_100], %mul3A_99 {strides = array<i32>} : memref<4096xi32, #tpu.memory_space<vmem>>, vector<16xi32>,
      %mul3A_102 = arith.constant 128 : i32
      %mul3A_103 = arith.muli %scan3A_22, %mul3A_102 : i32
      %add3A_104 = arith.constant 80 : i32
      %add3A_105 = arith.addi %mul3A_103, %add3A_104 : i32
      %mul3A_106 = arith.constant 128 : i32
      %mul3A_107 = arith.muli %scan3A_22, %mul3A_106 : i32
      %add3A_108 = arith.addi %mul3A_2, %mul3A_107 : i32
      %add3A_109 = arith.constant 80 : i32
      %add3A_110 = arith.addi %add3A_108, %add3A_109 : i32
      %add3A_111 = vector.broadcast %add3A_110 : i32 to vector<16xi32>
      %add3A_112 = arith.addi %add3A_111, %iota3A : vector<16xi32>
      %mul3A_113 = arith.constant 8 : i32
      %mul3A_114 = vector.broadcast %mul3A_113 : i32 to vector<16xi32>
      %mul3A_115 = arith.muli %add3A_112, %mul3A_114 : vector<16xi32>
      %swap3A_116 = arith.index_cast %add3A_105 : i32 to index
      %swap3A_117 = tpu.vector_load %arg8[%swap3A_116] {strides = array<i32>} : memref<4096xi32, #tpu.memory_space<vmem>>, vector<16xi32>,
      tpu.vector_store %arg8[%swap3A_116], %mul3A_115 {strides = array<i32>} : memref<4096xi32, #tpu.memory_space<vmem>>, vector<16xi32>,
      %mul3A_118 = arith.constant 128 : i32
      %mul3A_119 = arith.muli %scan3A_22, %mul3A_118 : i32
      %add3A_120 = arith.constant 96 : i32
      %add3A_121 = arith.addi %mul3A_119, %add3A_120 : i32
      %mul3A_122 = arith.constant 128 : i32
      %mul3A_123 = arith.muli %scan3A_22, %mul3A_122 : i32
      %add3A_124 = arith.addi %mul3A_2, %mul3A_123 : i32
      %add3A_125 = arith.constant 96 : i32
      %add3A_126 = arith.addi %add3A_124, %add3A_125 : i32
      %add3A_127 = vector.broadcast %add3A_126 : i32 to vector<16xi32>
      %add3A_128 = arith.addi %add3A_127, %iota3A : vector<16xi32>
      %mul3A_129 = arith.constant 8 : i32
      %mul3A_130 = vector.broadcast %mul3A_129 : i32 to vector<16xi32>
      %mul3A_131 = arith.muli %add3A_128, %mul3A_130 : vector<16xi32>
      %swap3A_132 = arith.index_cast %add3A_121 : i32 to index
      %swap3A_133 = tpu.vector_load %arg8[%swap3A_132] {strides = array<i32>} : memref<4096xi32, #tpu.memory_space<vmem>>, vector<16xi32>,
      tpu.vector_store %arg8[%swap3A_132], %mul3A_131 {strides = array<i32>} : memref<4096xi32, #tpu.memory_space<vmem>>, vector<16xi32>,
      %mul3A_134 = arith.constant 128 : i32
      %mul3A_135 = arith.muli %scan3A_22, %mul3A_134 : i32
      %add3A_136 = arith.constant 112 : i32
      %add3A_137 = arith.addi %mul3A_135, %add3A_136 : i32
      %mul3A_138 = arith.constant 128 : i32
      %mul3A_139 = arith.muli %scan3A_22, %mul3A_138 : i32
      %add3A_140 = arith.addi %mul3A_2, %mul3A_139 : i32
      %add3A_141 = arith.constant 112 : i32
      %add3A_142 = arith.addi %add3A_140, %add3A_141 : i32
      %add3A_143 = vector.broadcast %add3A_142 : i32 to vector<16xi32>
      %add3A_144 = arith.addi %add3A_143, %iota3A : vector<16xi32>
      %mul3A_145 = arith.constant 8 : i32
      %mul3A_146 = vector.broadcast %mul3A_145 : i32 to vector<16xi32>
      %mul3A_147 = arith.muli %add3A_144, %mul3A_146 : vector<16xi32>
      %swap3A_148 = arith.index_cast %add3A_137 : i32 to index
      %swap3A_149 = tpu.vector_load %arg8[%swap3A_148] {strides = array<i32>} : memref<4096xi32, #tpu.memory_space<vmem>>, vector<16xi32>,
      tpu.vector_store %arg8[%swap3A_148], %mul3A_147 {strides = array<i32>} : memref<4096xi32, #tpu.memory_space<vmem>>, vector<16xi32>,
      %mul3A_150 = arith.constant 128 : i32
      %mul3A_151 = arith.muli %scan3A_22, %mul3A_150 : i32
      %mul3A_152 = arith.constant 128 : i32
      %mul3A_153 = arith.muli %scan3A_22, %mul3A_152 : i32
      %dma_start3A = arith.constant 0 : i32
      %dma_start3A_154 = tpu.memref_slice %arg6[%mul3A_153, %dma_start3A] : memref<4096x16xf32, #tpu.memory_space<vmem>> -> memref<128x16xf32, #tpu.memory_space<vmem>>
      %dma_start3A_155 = tpu.memref_slice %arg8[%mul3A_151] : memref<4096xi32, #tpu.memory_space<vmem>> -> memref<128xi32, #tpu.memory_space<vmem>>
      %dma_start3A_156 = arith.constant 0 : i32
      %dma_start3A_157 = arith.constant 0 : i32
      %dma_start3A_158 = tpu.memref_slice %arg2[%dma_start3A_156, %dma_start3A_157] : memref<1048576x16xf32, #tpu.memory_space<hbm>> -> memref<1048576x16xf32, #tpu.memory_space<hbm>>
      tpu.enqueue_indirect_dma source(%dma_start3A_158 : memref<1048576x16xf32, #tpu.memory_space<hbm>>) target(%dma_start3A_154 : memref<128x16xf32, #tpu.memory_space<vmem>>) offsets(%dma_start3A_155 : memref<128xi32, #tpu.memory_space<vmem>>) semaphore(%arg13 : memref<!tpu.dma_semaphore, #tpu.memory_space<semaphore_mem>>)
    }
    %scan3A_6 = arith.constant 32 : i32
    %scan3A_7 = arith.constant 0 : i32
    %scan3A_8 = arith.constant 32 : i32
    %scan3A_9 = arith.addi %scan3A_7, %scan3A_8 : i32
    %scan3A_10 = arith.constant 1 : i32
    scf.for %scan3A_22 = %scan3A_7 to %scan3A_9 step %scan3A_10  : i32 {
      %mul3A_23 = arith.constant 128 : i32
      %mul3A_24 = arith.muli %scan3A_22, %mul3A_23 : i32
      %mul3A_25 = arith.constant 128 : i32
      %mul3A_26 = arith.muli %scan3A_22, %mul3A_25 : i32
      %dma_wait3A = arith.constant 0 : i32
      %dma_wait3A_27 = tpu.memref_slice %arg6[%mul3A_26, %dma_wait3A] : memref<4096x16xf32, #tpu.memory_space<vmem>> -> memref<128x16xf32, #tpu.memory_space<vmem>>
      %dma_wait3A_28 = tpu.memref_slice %arg8[%mul3A_24] : memref<4096xi32, #tpu.memory_space<vmem>> -> memref<128xi32, #tpu.memory_space<vmem>>
      %dma_wait3A_29 = arith.constant 0 : i32
      %dma_wait3A_30 = arith.constant 0 : i32
      %dma_wait3A_31 = tpu.memref_slice %arg2[%dma_wait3A_29, %dma_wait3A_30] : memref<1048576x16xf32, #tpu.memory_space<hbm>> -> memref<1048576x16xf32, #tpu.memory_space<hbm>>
      tpu.wait_indirect_dma semaphore(%arg13 : memref<!tpu.dma_semaphore, #tpu.memory_space<semaphore_mem>>) src(%dma_wait3A_31 : memref<1048576x16xf32, #tpu.memory_space<hbm>>) dst(%dma_wait3A_27 : memref<128x16xf32, #tpu.memory_space<vmem>>)
      %scan3A_32 = arith.constant 0 : i32
      %scan3A_33 = arith.constant 4 : i32
      %scan3A_34 = arith.addi %scan3A_32, %scan3A_33 : i32
      %scan3A_35 = arith.constant 1 : i32
      scf.for %scan3A_46 = %scan3A_32 to %scan3A_34 step %scan3A_35  : i32 {
        %mul3A_47 = arith.constant 8 : i32
        %mul3A_48 = arith.muli %scan3A_22, %mul3A_47 : i32
        %mul3A_49 = arith.constant 2 : i32
        %mul3A_50 = arith.muli %mul3A_49, %scan3A_46 : i32
        %add3A_51 = arith.addi %mul3A_48, %mul3A_50 : i32
        %add3A_52 = arith.constant 1 : i32
        %add3A_53 = arith.addi %add3A_51, %add3A_52 : i32
        %mul3A_54 = arith.constant 16 : i32
        %mul3A_55 = arith.muli %add3A_51, %mul3A_54 : i32
        %add3A_56 = vector.broadcast %mul3A_55 : i32 to vector<16xi32>
        %add3A_57 = arith.addi %add3A_56, %iota3A : vector<16xi32>
        %mul3A_58 = arith.constant 16 : i32
        %mul3A_59 = arith.muli %add3A_53, %mul3A_58 : i32
        %add3A_60 = vector.broadcast %mul3A_59 : i32 to vector<16xi32>
        %add3A_61 = arith.addi %add3A_60, %iota3A : vector<16xi32>
        %add3A_62 = vector.broadcast %mul3A_2 : i32 to vector<16xi32>
        %add3A_63 = arith.addi %add3A_62, %add3A_57 : vector<16xi32>
        %mul3A_64 = arith.constant 128 : i32
        %mul3A_65 = vector.broadcast %mul3A_64 : i32 to vector<16xi32>
        %mul3A_66 = arith.muli %add3A_63, %mul3A_65 : vector<16xi32>
        %mul3A_67 = arith.constant 16 : i32
        %mul3A_68 = arith.muli %add3A_51, %mul3A_67 : i32
        %swap3A = arith.index_cast %mul3A_68 : i32 to index
        %swap3A_69 = tpu.vector_load %arg9[%swap3A] {strides = array<i32>} : memref<4096xi32, #tpu.memory_space<vmem>>, vector<16xi32>,
        tpu.vector_store %arg9[%swap3A], %mul3A_66 {strides = array<i32>} : memref<4096xi32, #tpu.memory_space<vmem>>, vector<16xi32>,
        %add3A_70 = vector.broadcast %mul3A_2 : i32 to vector<16xi32>
        %add3A_71 = arith.addi %add3A_70, %add3A_61 : vector<16xi32>
        %mul3A_72 = arith.constant 128 : i32
        %mul3A_73 = vector.broadcast %mul3A_72 : i32 to vector<16xi32>
        %mul3A_74 = arith.muli %add3A_71, %mul3A_73 : vector<16xi32>
        %mul3A_75 = arith.constant 16 : i32
        %mul3A_76 = arith.muli %add3A_53, %mul3A_75 : i32
        %swap3A_77 = arith.index_cast %mul3A_76 : i32 to index
        %swap3A_78 = tpu.vector_load %arg9[%swap3A_77] {strides = array<i32>} : memref<4096xi32, #tpu.memory_space<vmem>>, vector<16xi32>,
        tpu.vector_store %arg9[%swap3A_77], %mul3A_74 {strides = array<i32>} : memref<4096xi32, #tpu.memory_space<vmem>>, vector<16xi32>,
      }
      %scan3A_36 = arith.constant 4 : i32
      %mul3A_37 = arith.constant 128 : i32
      %mul3A_38 = arith.muli %scan3A_22, %mul3A_37 : i32
      %dma_start3A = tpu.memref_slice %arg10[%mul3A_38] : memref<4096xf32, #tpu.memory_space<vmem>> -> memref<128xf32, #tpu.memory_space<vmem>>
      %dma_start3A_39 = tpu.memref_slice %arg9[%mul3A_38] : memref<4096xi32, #tpu.memory_space<vmem>> -> memref<128xi32, #tpu.memory_space<vmem>>
      %dma_start3A_40 = arith.constant 0 : i32
      %dma_start3A_41 = tpu.memref_slice %arg3[%dma_start3A_40] : memref<16777216xf32, #tpu.memory_space<hbm>> -> memref<16777216xf32, #tpu.memory_space<hbm>>
      tpu.enqueue_indirect_dma source(%dma_start3A_41 : memref<16777216xf32, #tpu.memory_space<hbm>>) target(%dma_start3A : memref<128xf32, #tpu.memory_space<vmem>>) offsets(%dma_start3A_39 : memref<128xi32, #tpu.memory_space<vmem>>) semaphore(%arg14 : memref<!tpu.dma_semaphore, #tpu.memory_space<semaphore_mem>>)
      %dma_start3A_42 = tpu.memref_slice %arg11[%mul3A_38] : memref<4096xf32, #tpu.memory_space<vmem>> -> memref<128xf32, #tpu.memory_space<vmem>>
      %dma_start3A_43 = tpu.memref_slice %arg9[%mul3A_38] : memref<4096xi32, #tpu.memory_space<vmem>> -> memref<128xi32, #tpu.memory_space<vmem>>
      %dma_start3A_44 = arith.constant 0 : i32
      %dma_start3A_45 = tpu.memref_slice %arg4[%dma_start3A_44] : memref<16777216xf32, #tpu.memory_space<hbm>> -> memref<16777216xf32, #tpu.memory_space<hbm>>
      tpu.enqueue_indirect_dma source(%dma_start3A_45 : memref<16777216xf32, #tpu.memory_space<hbm>>) target(%dma_start3A_42 : memref<128xf32, #tpu.memory_space<vmem>>) offsets(%dma_start3A_43 : memref<128xi32, #tpu.memory_space<vmem>>) semaphore(%arg14 : memref<!tpu.dma_semaphore, #tpu.memory_space<semaphore_mem>>)
    }
    %scan3A_11 = arith.constant 32 : i32
    %scan3A_12 = arith.constant 0 : i32
    %scan3A_13 = arith.constant 32 : i32
    %scan3A_14 = arith.addi %scan3A_12, %scan3A_13 : i32
    %scan3A_15 = arith.constant 1 : i32
    scf.for %scan3A_22 = %scan3A_12 to %scan3A_14 step %scan3A_15  : i32 {
      %mul3A_23 = arith.constant 128 : i32
      %mul3A_24 = arith.muli %scan3A_22, %mul3A_23 : i32
      %dma_wait3A = tpu.memref_slice %arg10[%mul3A_24] : memref<4096xf32, #tpu.memory_space<vmem>> -> memref<128xf32, #tpu.memory_space<vmem>>
      %dma_wait3A_25 = tpu.memref_slice %arg9[%mul3A_24] : memref<4096xi32, #tpu.memory_space<vmem>> -> memref<128xi32, #tpu.memory_space<vmem>>
      %dma_wait3A_26 = arith.constant 0 : i32
      %dma_wait3A_27 = tpu.memref_slice %arg3[%dma_wait3A_26] : memref<16777216xf32, #tpu.memory_space<hbm>> -> memref<16777216xf32, #tpu.memory_space<hbm>>
      tpu.wait_indirect_dma semaphore(%arg14 : memref<!tpu.dma_semaphore, #tpu.memory_space<semaphore_mem>>) src(%dma_wait3A_27 : memref<16777216xf32, #tpu.memory_space<hbm>>) dst(%dma_wait3A : memref<128xf32, #tpu.memory_space<vmem>>)
      %dma_wait3A_28 = tpu.memref_slice %arg11[%mul3A_24] : memref<4096xf32, #tpu.memory_space<vmem>> -> memref<128xf32, #tpu.memory_space<vmem>>
      %dma_wait3A_29 = tpu.memref_slice %arg9[%mul3A_24] : memref<4096xi32, #tpu.memory_space<vmem>> -> memref<128xi32, #tpu.memory_space<vmem>>
      %dma_wait3A_30 = arith.constant 0 : i32
      %dma_wait3A_31 = tpu.memref_slice %arg4[%dma_wait3A_30] : memref<16777216xf32, #tpu.memory_space<hbm>> -> memref<16777216xf32, #tpu.memory_space<hbm>>
      tpu.wait_indirect_dma semaphore(%arg14 : memref<!tpu.dma_semaphore, #tpu.memory_space<semaphore_mem>>) src(%dma_wait3A_31 : memref<16777216xf32, #tpu.memory_space<hbm>>) dst(%dma_wait3A_28 : memref<128xf32, #tpu.memory_space<vmem>>)
    }
    %scan3A_16 = arith.constant 32 : i32
    %scan3A_17 = arith.constant 0 : i32
    %scan3A_18 = arith.constant 256 : i32
    %scan3A_19 = arith.addi %scan3A_17, %scan3A_18 : i32
    %scan3A_20 = arith.constant 1 : i32
    scf.for %scan3A_22 = %scan3A_17 to %scan3A_19 step %scan3A_20  : i32 {
      %mul3A_23 = arith.constant 16 : i32
      %mul3A_24 = arith.muli %scan3A_22, %mul3A_23 : i32
      %get3A = arith.index_cast %mul3A_24 : i32 to index
      %get3A_25 = tpu.vector_load %arg10[%get3A] {strides = array<i32>} : memref<4096xf32, #tpu.memory_space<vmem>>, vector<16xf32>,
      %get3A_26 = arith.index_cast %mul3A_24 : i32 to index
      %get3A_27 = tpu.vector_load %arg11[%get3A_26] {strides = array<i32>} : memref<4096xf32, #tpu.memory_space<vmem>>, vector<16xf32>,
      %add3A_28 = arith.addf %get3A_25, %get3A_27 : vector<16xf32>
      %mul3A_29 = arith.constant 5.000000e-01 : f32
      %mul3A_30 = vector.broadcast %mul3A_29 : f32 to vector<16xf32>
      %mul3A_31 = arith.mulf %add3A_28, %mul3A_30 : vector<16xf32>
      %swap3A = arith.index_cast %mul3A_24 : i32 to index
      %swap3A_32 = tpu.vector_load %arg12[%swap3A] {strides = array<i32>} : memref<4096xf32, #tpu.memory_space<vmem>>, vector<16xf32>,
      tpu.vector_store %arg12[%swap3A], %mul3A_31 {strides = array<i32>} : memref<4096xf32, #tpu.memory_space<vmem>>, vector<16xf32>,
    }
    %scan3A_21 = arith.constant 256 : i32
    "tpu.region"() ({
      %run_scoped3A = tpu.sem_alloc : memref<!tpu.dma_semaphore, #tpu.memory_space<semaphore_mem>>
      %dma_start3A = tpu.memref_slice %arg5[%mul3A_2] : memref<131072xf32, #tpu.memory_space<hbm>> -> memref<4096xf32, #tpu.memory_space<hbm>>
      %dma_start3A_22 = tpu.memref_slice %arg5[%mul3A_2] : memref<131072xf32, #tpu.memory_space<hbm>> -> memref<4096xf32, #tpu.memory_space<hbm>>
      tpu.enqueue_dma source(%arg12 : memref<4096xf32, #tpu.memory_space<vmem>>) target(%dma_start3A_22 : memref<4096xf32, #tpu.memory_space<hbm>>) target_semaphore(%run_scoped3A : memref<!tpu.dma_semaphore, #tpu.memory_space<semaphore_mem>>)
      %dma_wait3A = tpu.memref_slice %arg5[%mul3A_2] : memref<131072xf32, #tpu.memory_space<hbm>> -> memref<4096xf32, #tpu.memory_space<hbm>>
      %dma_wait3A_23 = tpu.memref_slice %arg5[%mul3A_2] : memref<131072xf32, #tpu.memory_space<hbm>> -> memref<4096xf32, #tpu.memory_space<hbm>>
      tpu.wait_dma2 semaphore(%run_scoped3A : memref<!tpu.dma_semaphore, #tpu.memory_space<semaphore_mem>>) src(%arg12 : memref<4096xf32, #tpu.memory_space<vmem>>) dst(%dma_wait3A_23 : memref<4096xf32, #tpu.memory_space<hbm>>)
      tpu.yield
    }) : () -> ()
    return
  }
}

</mosaic_0001>

<sc_bundles>
// kernel: _sc_call.3.cloned.1.call-start
scs
__scs_entry_jumppad:
0x0: {  	(pc) =	sbr.rel $0x88, $3  }
0x1: {  	(tag) =	ssettag $0x0;
	lr =	simm.s32 $0x1  }
0x2: {  	[smem:$0x3F9E] =	sst lr;
	_ =	strace $0xD0000000  }
0x3: {  	_ = 	snop  }
0x4: {  	_ = 	snop  }
0x5: {  	_ = 	snop  }
0x6: {  	_ = 	snop  }
0x7: {  	_ = 	snop  }
__scs_overlays_trampoline_lowered:
0x8: {  	[smem:$0x3FAD] =	sst s0  }
0x9: {  	[smem:$0x3FAE] =	sst s1  }
0xa: {  	[smem:$0x3FAF] =	sst s2  }
0xb: {  	[smem:$0x3FB0] =	sst s3  }
0xc: {  	[smem:$0x3FB1] =	sst s4  }
0xd: {  	[smem:$0x3FB2] =	sst s5  }
0xe: {  	[smem:$0x3FB3] =	sst s6  }
0xf: {  	[smem:$0x3FB4] =	sst s7  }
0x10: {  	[smem:$0x3FB5] =	sst s8  }
0x11: {  	[smem:$0x3FB6] =	sst s9;
	s0 =	simm.s32 @!p0 $0x0  }
0x12: {  	s1 =	sld [smem:$0x3F9C];
	s0 =	simm.s32 @p0 $0x1  }
0x13: {  	[smem:$0x3FB7] =	sst s0;
	s0 =	simm.s32 @!p1 $0x0  }
0x14: {  	s2 =	sld [smem:$0x3F9B];
	s0 =	simm.s32 @p1 $0x1  }
0x15: {  	[smem:$0x3FB8] =	sst s0;
	s0 =	simm.s32 @!p2 $0x0  }
0x16: {  	s3 =	sld [smem:$0x3FDB];
	s0 =	simm.s32 @p2 $0x1  }
0x17: {  	s4 =	simm.s32 $0x1BF5;
	[smem:$0x3FBA] =	sst s0  }
0x18: {  	s0 =	sld [smem:$0x3F9D];
	_ =	swait.ge [sflag:s4], $0x0  }
0x19: {  	s7 =	sld [smem:$0x3F9E]  }
0x1a: {  	s8 =	sadd.s32 $0xFFFFE003, lr  }
0x1b: {  	s9 =	sadd.s32 $0xFFFFFEF7, lr;
	s5 =	simm.s32 $0xFFFFFFFF;
	p2 =	slt.u32 s8, $0xFFFFF086  }
0x1c: {  	p1 =	slt.u32 s9, $0xF7A;
	s5 =	simm.s32 @!p2 $0x0  }
0x1d: {  	s5 =	simm.s32 @p1 $0x1;
	p0 =	seq.s32 s7, s2  }
0x1e: {  	s7 =	smul.u32 @!p0 $0xF7A, s2;
	p2 =	seq.s32 @!p0 s5, $0x0  }
0x1f: {  	s9 =	smul.u32 $0xF7A, s1;
	s8 =	simm.s32 @!p0 $0x1BF5;
	p2 =	por !p2, p0  }
0x20: {  	[sflag:s8] =	ssyncset.s32 @!p0 $0xFFFFF086;
	s6 =	sadd.s32 @!p0 s3, s7;
	s7 =	simm.s32 @!p0 $0x108  }
0x21: {  	s3 =	sadd.s32 s3, s9;
	s6 =	sadd.s32 @!p0 $0x88, s6;
	s7 =	simm.s32 @p2 $0x1082  }
0x22: {  	[simem:s7], [sflag:s8] =	dma.local @!p0 [hbm:s6], $0xF7A  }
0x23: {  	s9 =	sor.u32 $0xD0000000, s2;
	s6 =	simm.s32 $0x108;
	_ =	swait.ge @!p0 [sflag:s8], $0x0  }
0x24: {  	s3 =	sadd.s32 $0x88, s3;
	s6 =	simm.s32 @!p1 $0x1082;
	[sflag:s4] =	ssyncset.s32 $0xFFFFF086  }
0x25: {  	[simem:s6], [sflag:s4] =	dma.local [hbm:s3], $0xF7A  }
0x26: {  	[smem:$0x3F9E] =	sst s1;
	(tag) =	ssettag s2;
	_ =	strace s9  }
0x27: {  	s1 =	sld [smem:$0x3FAE]  }
0x28: {  	s2 =	sld [smem:$0x3FAF]  }
0x29: {  	s4 =	sld [smem:$0x3FB1]  }
0x2a: {  	p0 =	seq.s32 s5, $0x0;
	s5 =	sld [smem:$0x3FB2]  }
0x2b: {  	s6 =	sld [smem:$0x3FB3]  }
0x2c: {  	s7 =	sld [smem:$0x3FB4]  }
0x2d: {  	s3 =	simm.s32 $0x108;
	s8 =	sld [smem:$0x3FB5]  }
0x2e: {  	s3 =	simm.s32 @!p0 $0x1082;
	s9 =	sld [smem:$0x3FB6]  }
0x2f: {  	lr =	sadd.s32 s0, s3;
	s0 =	sld [smem:$0x3FAD]  }
0x30: {  	s3 =	sld [smem:$0x3FB0]  }
0x31: {  	[smem:$0x3FB9] =	sst s10  }
0x32: {  	s10 =	sld [smem:$0x3FB7];
	_ =	sdelay $0x3  }
0x33: {  	p0 =	seq.s32 s10, $0x1;
	s10 =	sld [smem:$0x3FB9];
	_ =	sdelay $0x3  }
0x34: {  	[smem:$0x3FB9] =	sst s10  }
0x35: {  	s10 =	sld [smem:$0x3FB8];
	_ =	sdelay $0x3  }
0x36: {  	p1 =	seq.s32 s10, $0x1;
	s10 =	sld [smem:$0x3FB9];
	_ =	sdelay $0x3  }
0x37: {  	[smem:$0x3FB9] =	sst s10  }
0x38: {  	s10 =	sld [smem:$0x3FBA]  }
0x39: {  	_ = 	snop;
	(pc) =	sbr.ind lr, $3  }
0x3a: {  	_ = 	snop  }
0x3b: {  	_ = 	snop  }
0x3c: {  	p2 =	seq.s32 s10, $0x1;
	s10 =	sld [smem:$0x3FB9]  }
0x3d: {  	_ =	shalt  }
0x3e: {  	_ =	shalt  }
0x3f: {  	_ =	shalt  }
0x40: {  	_ =	shalt  }
0x41: {  	_ =	shalt  }
0x42: {  	_ =	shalt  }
0x43: {  	_ =	shalt  }
0x44: {  	_ =	shalt  }
0x45: {  	_ =	shalt  }
0x46: {  	_ =	shalt  }
0x47: {  	_ =	shalt  }
0x48: {  	_ =	shalt  }
0x49: {  	_ =	shalt  }
0x4a: {  	_ =	shalt  }
0x4b: {  	_ =	shalt  }
0x4c: {  	_ =	shalt  }
0x4d: {  	_ =	shalt  }
0x4e: {  	_ =	shalt  }
0x4f: {  	_ =	shalt  }
0x50: {  	_ =	shalt  }
0x51: {  	_ =	shalt  }
0x52: {  	_ =	shalt  }
0x53: {  	_ =	shalt  }
0x54: {  	_ =	shalt  }
0x55: {  	_ =	shalt  }
0x56: {  	_ =	shalt  }
0x57: {  	_ =	shalt  }
0x58: {  	_ =	shalt  }
0x59: {  	_ =	shalt  }
0x5a: {  	_ =	shalt  }
0x5b: {  	_ =	shalt  }
0x5c: {  	_ =	shalt  }
0x5d: {  	_ =	shalt  }
0x5e: {  	_ =	shalt  }
0x5f: {  	_ =	shalt  }
0x60: {  	_ =	shalt  }
0x61: {  	_ =	shalt  }
0x62: {  	_ =	shalt  }
0x63: {  	_ =	shalt  }
0x64: {  	_ =	shalt  }
0x65: {  	_ =	shalt  }
0x66: {  	_ =	shalt  }
0x67: {  	_ =	shalt  }
0x68: {  	_ =	shalt  }
0x69: {  	_ =	shalt  }
0x6a: {  	_ =	shalt  }
0x6b: {  	_ =	shalt  }
0x6c: {  	_ =	shalt  }
0x6d: {  	_ =	shalt  }
0x6e: {  	_ =	shalt  }
0x6f: {  	_ =	shalt  }
0x70: {  	_ =	shalt  }
0x71: {  	_ =	shalt  }
0x72: {  	_ =	shalt  }
0x73: {  	_ =	shalt  }
0x74: {  	_ =	shalt  }
0x75: {  	_ =	shalt  }
0x76: {  	_ =	shalt  }
0x77: {  	_ =	shalt  }
0x78: {  	_ =	shalt  }
0x79: {  	_ =	shalt  }
0x7a: {  	_ =	shalt  }
0x7b: {  	_ =	shalt  }
0x7c: {  	_ =	shalt  }
0x7d: {  	_ =	shalt  }
0x7e: {  	_ =	shalt  }
0x7f: {  	_ =	shalt  }
0x80: {  	_ =	shalt  }
0x81: {  	_ =	shalt  }
0x82: {  	_ =	shalt  }
0x83: {  	_ =	shalt  }
0x84: {  	_ =	shalt  }
0x85: {  	_ =	shalt  }
0x86: {  	_ =	shalt  }
0x87: {  	_ =	shalt  }
.Lfunc_end0:
.L_simem_size_0:
called_computation_lowered:
.L_overlay_start_0:
0x88: {  	s2 =	sld [smem:$0x3FD9]  }
0x89: {  	s3 =	sld [smem:$0x3FFE];
	_ =	sdelay $0x1  }
0x8a: {  	s1 =	srdreg.scid  }
0x8b: {  	s0 =	sand.u32 $0x1, s1  }
0x8c: {  	s17 =	sshll.u32 s0, $0xA;
	s2 =	sadd.s32 s3, s2  }
0x8d: {  	s2 =	sadd.s32 s2, s17  }
0x8e: {  	[smem:$0x3FC5] =	sst s2  }
0x8f: {  	_ = 	snop  }
0x90: {  	s2 =	sld [smem:$0x3FC8]  }
0x91: {  	s18 =	sld [smem:$0x3FC7]  }
0x92: {  	s4 =	sld [smem:$0x3FD0];
	(tm) =	ssettm $0x1  }
0x93: {  	s5 =	sld [smem:$0x3FFB];
	_ =	sdelay $0x3  }
0x94: {  	_ =	strace s5  }
0x95: {  	s5 =	sld [smem:$0x3FFC];
	_ =	sdelay $0x3  }
0x96: {  	_ =	strace s5  }
0x97: {  	s5 =	sld [smem:$0x3FFD];
	_ =	sdelay $0x3  }
0x98: {  	_ =	strace s5  }
0x99: {  	_ =	strace $0x8FFFFFFF  }
0x9a: {  	s19 =	sld [smem:$0x3FDB];
	_ =	sdelay $0x1  }
0x9b: {  	s6 =	simm.s32 $_scs_section_size  }
0x9c: {  	s7 =	simm.s32 $_size__tile_overlayer_lowered;
	s8 =	simm.s32 $_tile_overlayer_lowered  }
0x9d: {  	s22 =	simm.s32 $0x1BFF;
	s21 =	sshll.u32 s8, $0x1;
	s5 =	sadd.s32 s6, s19  }
0x9e: {  	s9 =	simm.s32 $0x0;
	s20 =	sshll.u32 s7, $0x1;
	s7 =	sadd.s32 s21, s5  }
0x9f: {  	[timem:s9], [sflag:s22] =	dma.local [hbm:s7], s20  }
0xa0: {  	_ =	swait.ge [sflag:s22], s20  }
0xa1: {  	s6 =	ssub.s32 $0x0, s20;
	[sflag:s22] =	ssyncset.done $0x0  }
0xa2: {  	[sflag:s22] =	ssyncadd.s32 s6;
	_ =	sdelay $0x1  }
0xa3: {  	s23 =	simm.s32 $0x1B8B  }
0xa4: {  	_ =	swait.ge [sflag:s23], $0x1  }
0xa5: {  	[sflag:s23] =	ssyncset.done $0x0  }
0xa6: {  	s25 =	simm.s32 $0x1B8E;
	s24 =	sld [smem:$0x3FFE];
	[sflag:s23] =	ssyncadd.s32 $0xFFFFFFFF  }
0xa7: {  	s26 =	simm.s32 $execute0_lowered;
	[smem:$0x3FD2] =	sst s25  }
0xa8: {  	s7 =	sshll.u32 s26, $0x1;
	_ =	strace $0x80000046;
	[dreg:$0x1] =	wrdreg $0xFFFFFFFF  }
0xa9: {  	s28 =	simm.s32 $_size_execute0_lowered;
	s5 =	sadd.s32 s5, s7;
	[dreg:$0x0] =	wrdreg $0x0  }
0xaa: {  	s7 =	sshll.u32 s28, $0x1;
	[dreg:$0x2] =	wrdreg s5  }
0xab: {  	[dreg:$0x3] =	wrdreg s7  }
0xac: {  	[dreg:$0x4] =	wrdreg $0xC0  }
0xad: {  	_ =	task [dreg:s9], $0x5FFFF  }
0xae: {  	[dreg:$0x1] =	wrdreg $0xFFFFFFFF  }
0xaf: {  	[dreg:$0x0] =	wrdreg $0x60  }
0xb0: {  	[dreg:$0x2] =	wrdreg s24  }
0xb1: {  	[dreg:$0x3] =	wrdreg s2  }
0xb2: {  	[dreg:$0x4] =	wrdreg s18  }
0xb3: {  	[dreg:$0x5] =	wrdreg s4  }
0xb4: {  	[dreg:$0x6] =	wrdreg $0x9  }
0xb5: {  	_ =	task.clear_ibuf [dreg:s9], $0x7FFFF;
	_ =	strace $0x90000046  }
0xb6: {  	s29 =	simm.s32 $0x9;
	_ =	strace $0x80000048  }
0xb7: {  	_ =	swait.ge [sflag:s29], $0x1  }
0xb8: {  	[sflag:s29] =	ssyncadd.s32 $0xFFFFFFFF  }
0xb9: {  	_ =	strace $0x90000048  }
0xba: {  	_ =	sfence  }
0xbb: {  	s30 =	sld [smem:$0x0];
	_ =	sdelay $0x2  }
0xbc: {  	s31 =	sshll.u32 s1, $0xD;
	s1 =	sshrl.u32 s1, $0x2  }
0xbd: {  	s3 =	sand.u32 $0x4000, s31;
	s1 =	sadd.s32 s1, s30  }
0xbe: {  	s0 =	sor.u32 s3, s0;
	s1 =	sshll.u32 s1, $0x11  }
0xbf: {  	s0 =	sor.u32 s1, s0  }
0xc0: {  	s0 =	sadd.s32 $0x8F2B, s0  }
0xc1: {  	[sflag:s0] =	ssyncadd.remote.s32 $0x1  }
0xc2: {  	_ =	sfence.sel $0xFFFF  }
0xc3: {  	[dreg:$0x0] =	wrdreg $0xFFFFFFFF;
	(pc) =	sbr.abs _section_cstart, $3  }
0xc4: {  	[dreg:$0x1] =	wrdreg $0xFFFFFFFF  }
0xc5: {  	_ =	task.clear_ibuf [dreg:s9], $0x2FFFF;
	_ =	strace $0x9FFFFFFF  }
0xc6: {  	(tm) =	ssettm $0x7FFFFFFF  }
0xc7: {  	_ =	shalt  }
tec
execute0_lowered:
.L_overlay_start_1:
0x0: {  	(tag) =	ssettag $0x1  }
0x1: {  	s6 =	rddreg [dreg:$0x0]  }
0x2: {  	s1 =	rddreg [dreg:$0x1]  }
0x3: {  	s2 =	rddreg [dreg:$0x2]  }
0x4: {  	s7 =	rddreg [dreg:$0x3]  }
0x5: {  	s0 =	rddreg [dreg:$0x4];
	s5 =	srdreg.scid  }
0x6: {  	s4 =	simm.s32 $0x0;
	s3 =	stileid.u32;
	s11 =	simm.s32 $0x2  }
0x7: {  	s12 =	simm.s32 $0x14000;
	s13 =	simm.s32 $0x3;
	s14 =	simm.s32 $0x0  }
0x8: {  	s5 =	sand.u32 $0x1, s5;
	s9 =	sshll.u32 s3, $0xD;
	[smem:$0x7FF] =	sst s4  }
0x9: {  	s6 =	sadd.s32 $0x1000400, s6;
	s8 =	ssub.s32 $0x2, s5;
	s5 =	sshll.u32 s5, $0xC  }
0xa: {  	v0 =	vlaneseq.u32;
	_ =	strace $0x80000047;
	s10 =	sshrl.u32 s8, $0x1;
	s5 =	sor.u32 s5, s9  }
0xb: {  	v2 =	vmul.u32 $0x8, v0;
	s8 =	ssub.s32 s8, s10;
	s9 =	sshrl.u32 s5, $0x3;
	s10 =	simm.s32 $0x1  }
0xc: {  	v3 =	vmul.u32 $0x80, v0;
	v1 =	vmov s5;
	s7 =	sadd.s32 s7, s9;
	s8 =	smax.u32 s8, $0x1;
	s9 =	simm.s32 $0x80  }
.LBB2_1:
0xd: {  	s16 =	sadd.s32 $0x0, s5  }
0xe: {  	s15 =	sadd.s32 $0x10, s16  }
0xf: {  	s21 =	sadd.s32 $0x20, s16;
	v4 =	vmov s15  }
0x10: {  	s22 =	sadd.s32 $0x30, s16;
	v5 =	vmov s21;
	v4 =	vshll.u32 v4, $0x3  }
0x11: {  	s17 =	simm.s32 $0x10000;
	s18 =	sadd.s32 $0x40, s16;
	v6 =	vmov s22;
	v5 =	vshll.u32 v5, $0x3;
	v4 =	vor.u32 v2, v4  }
0x12: {  	s23 =	sadd.s32 $0x50, s16;
	[tilespmem:s17+$0x10] =	vst v4;
	v4 =	vor.u32 v2, v5;
	v5 =	vshll.u32 v6, $0x3;
	v6 =	vmov s18  }
0x13: {  	s24 =	sadd.s32 $0x60, s16;
	[tilespmem:s17+$0x20] =	vst v4;
	v4 =	vor.u32 v2, v5;
	v5 =	vshll.u32 v6, $0x3;
	v6 =	vmov s23  }
0x14: {  	s25 =	sadd.s32 $0x70, s16;
	[tilespmem:s17+$0x30] =	vst v4;
	v4 =	vor.u32 v2, v5;
	v5 =	vshll.u32 v6, $0x3;
	v6 =	vmov s24  }
0x15: {  	[tilespmem:s17+$0x40] =	vst v4;
	v4 =	vor.u32 v2, v5;
	v5 =	vshll.u32 v6, $0x3;
	v6 =	vmov s25  }
0x16: {  	v7 =	vmov s16;
	s15 =	sadd.s32 $0x80, s5;
	[tilespmem:s17+$0x50] =	vst v4;
	v4 =	vor.u32 v2, v5;
	v5 =	vshll.u32 v6, $0x3  }
0x17: {  	s26 =	sadd.s32 $0x10, s15;
	v6 =	vshll.u32 v7, $0x3;
	[tilespmem:s17+$0x60] =	vst v4;
	v4 =	vor.u32 v2, v5  }
0x18: {  	s28 =	sadd.s32 $0x20, s15;
	v5 =	vmov s26;
	v6 =	vor.u32 v2, v6;
	[tilespmem:s17+$0x70] =	vst v4  }
0x19: {  	s16 =	simm.s32 $0x10080;
	s29 =	sadd.s32 $0x30, s15;
	s19 =	sadd.s32 $0x40, s15;
	v4 =	vshll.u32 v5, $0x3;
	v5 =	vmov s28;
	[tilespmem:s17+$0x0] =	vst v6  }
0x1a: {  	v6 =	vmov s29;
	v4 =	vor.u32 v2, v4;
	v5 =	vshll.u32 v5, $0x3;
	[tilespmem:s4], [sflag:$0x1] =	stream.indirect.gather [hbm4b:s6+s9], $0x10, s17, s9, $0xb8;
	[tilespmem:$0x15000] =	vst v63  }
0x1b: {  	s30 =	sadd.s32 $0x50, s15;
	[tilespmem:s16+$0x10] =	vst v4;
	v4 =	vor.u32 v2, v5;
	v5 =	vshll.u32 v6, $0x3;
	v6 =	vmov s19  }
0x1c: {  	s31 =	sadd.s32 $0x60, s15;
	s20 =	sadd.s32 $0x70, s15;
	[tilespmem:s16+$0x20] =	vst v4;
	v4 =	vor.u32 v2, v5;
	v5 =	vshll.u32 v6, $0x3;
	v6 =	vmov s30  }
0x1d: {  	s18 =	simm.s32 $0x10080;
	s17 =	simm.s32 $0x0;
	s19 =	simm.s32 $0x100;
	[tilespmem:s16+$0x30] =	vst v4;
	v4 =	vor.u32 v2, v5;
	v5 =	vshll.u32 v6, $0x3;
	v6 =	vmov s31  }
.LBB2_2:
0x1e: {  	s21 =	sadd.s32 s19, s5;
	p0 =	sne.s32 s19, $0xF80;
	[tilespmem:s16+$0x40] =	vst v4;
	v4 =	vor.u32 v2, v5;
	v5 =	vshll.u32 v6, $0x3;
	v6 =	vmov s20  }
0x1f: {  	v7 =	vmov s15;
	s20 =	sadd.s32 $0x10, s21;
	[tilespmem:s16+$0x50] =	vst v4;
	v4 =	vor.u32 v2, v5;
	v5 =	vshll.u32 v6, $0x3;
	s15 =	smov.u32 s21  }
0x20: {  	s17 =	sadd.s32 $0x800, s17;
	v7 =	vshll.u32 v7, $0x3;
	v6 =	vmov s20;
	s20 =	sadd.s32 $0x20, s15;
	[tilespmem:s16+$0x60] =	vst v4;
	v4 =	vor.u32 v2, v5;
	s21 =	sadd.s32 $0x40, s15  }
.Ltmp0:
0x21: {  	v7 =	vor.u32 v2, v7;
	s16 =	sadd.s32 $0x80, s16;
	v5 =	vshll.u32 v6, $0x3;
	v6 =	vmov s20;
	s20 =	sadd.s32 $0x30, s15;
	[tilespmem:s18+$0x70] =	vst v4;
	(pc) =	sbr.rel @p0 .LBB2_2-.Ltmp0, $4  }
0x22: {  	v4 =	vor.u32 v2, v5;
	v5 =	vshll.u32 v6, $0x3;
	v6 =	vmov s20;
	[tilespmem:s18+$0x0] =	vst v7;
	[tilespmem:s17], [sflag:$0x1] =	stream.indirect.gather [hbm4b:s6+s9], $0x10, s18, s9, $0xb8  }
0x23: {  	s20 =	sadd.s32 $0x50, s15;
	s18 =	smov.u32 s16;
	[tilespmem:s16+$0x10] =	vst v4;
	v4 =	vor.u32 v2, v5;
	v5 =	vshll.u32 v6, $0x3;
	v6 =	vmov s21  }
0x24: {  	[tilespmem:s16+$0x20] =	vst v4;
	v4 =	vor.u32 v2, v5;
	v5 =	vshll.u32 v6, $0x3;
	v6 =	vmov s20;
	s20 =	sadd.s32 $0x60, s15  }
0x25: {  	s19 =	sadd.s32 $0x80, s19;
	[tilespmem:s16+$0x30] =	vst v4;
	v4 =	vor.u32 v2, v5;
	v5 =	vshll.u32 v6, $0x3;
	v6 =	vmov s20;
	s20 =	sadd.s32 $0x70, s15  }
0x26: {  	[tilespmem:s16+$0x40] =	vst v4;
	v4 =	vor.u32 v2, v5;
	v5 =	vshll.u32 v6, $0x3;
	v62 =	vmov s20  }
0x27: {  	v7 =	vmov s15;
	[tilespmem:s16+$0x50] =	vst v4;
	v4 =	vor.u32 v2, v5;
	v5 =	vshll.u32 v62, $0x3  }
0x28: {  	v63 =	vshll.u32 v7, $0x3;
	[tilespmem:s16+$0x60] =	vst v4;
	v4 =	vor.u32 v2, v5  }
0x29: {  	s31 =	sadd.s32 $0x800, s17;
	v5 =	vor.u32 v2, v63;
	[tilespmem:s18+$0x70] =	vst v4  }
0x2a: {  	s15 =	simm.s32 $0x0;
	s17 =	simm.s32 $0x10;
	s16 =	simm.s32 $0x11000;
	[tilespmem:s18+$0x0] =	vst v5  }
0x2b: {  	[tilespmem:s31], [sflag:$0x1] =	stream.indirect.gather [hbm4b:s6+s9], $0x10, s18, s9, $0xb8;
	[tilespmem:$0x15000] =	vst v63  }
.LBB2_4:
0x2c: {  	v4 =	vmov s16  }
0x2d: {  	s18 =	sadd.s32 $0xFFFFFFF0, s17  }
0x2e: {  	_ =	swait.ge [sflag:s10], $0x800;
	v5 =	vadd.s32 s18, v1  }
0x2f: {  	v6 =	vadd.s32 s17, v1;
	[sflag:s10] =	ssyncset.done $0x0;
	v5 =	vadd.s32 v0, v5  }
0x30: {  	s21 =	simm.s32 $0x0;
	v6 =	vshll.u32 v6, $0x7;
	[sflag:s10] =	ssyncadd.s32 $0xFFFFF800;
	v5 =	vshll.u32 v5, $0x7  }
0x31: {  	s19 =	simm.s32 $0x80;
	s20 =	smov.u32 s17;
	s18 =	sshll.u32 s15, $0x7;
	[tilespmem:v4+s21+$0x0 ss:$0x1] =	vst.idx.msk $0xffff, v5;
	v5 =	vadd.s32 v3, v6  }
.LBB2_5:
0x32: {  	p0 =	sne.s32 s19, $0x180  }
0x33: {  	[tilespmem:v4+s21+$0x10 ss:$0x1] =	vst.idx.msk $0xffff, v5;
	s20 =	sadd.s32 $0x20, s20;
	s21 =	smov.u32 s19;
	s19 =	sadd.s32 $0x80, s19  }
.Ltmp1:
0x34: {  	s22 =	sadd.s32 $0xFFFFFFF0, s20;
	(pc) =	sbr.rel @p0 .LBB2_5-.Ltmp1, $4  }
0x35: {  	v5 =	vadd.s32 s22, v1  }
0x36: {  	v6 =	vadd.s32 s20, v1;
	v5 =	vadd.s32 v0, v5  }
0x37: {  	s21 =	sshra.s32 s21, $0x2;
	v6 =	vshll.u32 v6, $0x7;
	v5 =	vshll.u32 v5, $0x7  }
0x38: {  	[tilespmem:v4+s21+$0x0 ss:$0x1] =	vst.idx.msk $0xffff, v5;
	v5 =	vadd.s32 v3, v6  }
0x39: {  	_ = 	snop  }
0x3a: {  	s15 =	sadd.s32 $0x1, s15  }
0x3b: {  	p0 =	sne.s32 s15, $0x20  }
.Ltmp2:
0x3c: {  	_ = 	snop;
	(pc) =	sbr.rel @p0 .LBB2_4-.Ltmp2, $4  }
0x3d: {  	[tilespmem:v4+s21+$0x10 ss:$0x1] =	vst.idx.msk $0xffff, v5;
	s19 =	sadd.s32 $0x12000, s18;
	s20 =	sadd.s32 $0x11000, s18  }
0x3e: {  	[tilespmem:s19], [sflag:$0x2] =	stream.indirect.gather [hbm4b:s1+s9], $0x1, s20, s9, $0xb8;
	[tilespmem:$0x15000] =	vst v63  }
0x3f: {  	s31 =	sadd.s32 $0x13000, s18;
	s16 =	sadd.s32 $0x80, s16;
	s17 =	sadd.s32 $0x80, s17  }
0x40: {  	[tilespmem:s31], [sflag:$0x2] =	stream.indirect.gather [hbm4b:s2+s9], $0x1, s20, s9, $0xb8;
	[tilespmem:$0x15000] =	vst v63  }
0x41: {  	_ =	swait.ge [sflag:s11], $0x80  }
0x42: {  	[sflag:s11] =	ssyncset.done $0x0  }
0x43: {  	[sflag:s11] =	ssyncadd.s32 $0xFFFFFF80  }
0x44: {  	_ =	swait.ge [sflag:s11], $0x80  }
0x45: {  	s15 =	simm.s32 $0x1F;
	[sflag:s11] =	ssyncset.done $0x0  }
.LBB2_8:
0x46: {  	p0 =	sne.s32 s15, $0x1;
	s15 =	sadd.s32 $0xFFFFFFFF, s15;
	[sflag:s11] =	ssyncadd.s32 $0xFFFFFF80  }
.Ltmp3:
0x47: {  	_ =	swait.ge [sflag:s11], $0x80;
	(pc) =	sbr.rel @p0 .LBB2_8-.Ltmp3, $4  }
0x48: {  	[sflag:s11] =	ssyncset.done $0x0  }
0x49: {  	[sflag:s11] =	ssyncadd.s32 $0xFFFFFF80  }
0x4a: {  	_ =	swait.ge [sflag:s11], $0x80  }
0x4b: {  	[sflag:s11] =	ssyncset.done $0x0  }
0x4c: {  	[sflag:s11] =	ssyncadd.s32 $0xFFFFFF80;
	s15 =	simm.s32 $0x0  }
0x4d: {  	v4 =	vld [tilespmem:s15+$0x12000]  }
0x4e: {  	v5 =	vld [tilespmem:s15+$0x13000];
	_ =	sdelay $0x2  }
0x4f: {  	s16 =	simm.s32 $0x40  }
.LBB2_10:
0x50: {  	s17 =	sshra.s32 s16, $0x2;
	p0 =	sne.s32 s16, $0x3FC0  }
.Ltmp4:
0x51: {  	s16 =	sadd.s32 $0x40, s16;
	v6 =	vadd.f32 v5, v4;
	v4 =	vld [tilespmem:s17+$0x12000];
	(pc) =	sbr.rel @p0 .LBB2_10-.Ltmp4, $3  }
0x52: {  	v5 =	vld [tilespmem:s17+$0x13000]  }
0x53: {  	v6 =	vmul.f32 $5.000000000e-01, v6;
	_ =	sdelay $0x1  }
0x54: {  	[tilespmem:s15+$0x14000] =	vst v6;
	s15 =	smov.u32 s17  }
0x55: {  	_ = 	snop  }
0x56: {  	v4 =	vadd.f32 v5, v4;
	_ =	sdelay $0x1  }
0x57: {  	s14 =	sadd.s32 $0x1, s14;
	v4 =	vmul.f32 $5.000000000e-01, v4  }
0x58: {  	p0 =	sne.s32 s14, s8  }
.Ltmp5:
0x59: {  	[tilespmem:s15+$0x14000] =	vst v4;
	(pc) =	sbr.rel @p0 .LBB2_1-.Ltmp5, $4  }
0x5a: {  	[hbm4b:s7+s4] =	stream.linear.scatter [tilespmem:s12], [sflag:$0x3], $0x1000, $0x38;
	[tilespmem:$0x15000] =	vst v63  }
0x5b: {  	_ =	swait.ge [sflag:s13], $0x1000  }
0x5c: {  	[sflag:s13] =	ssyncset.done $0x0  }
0x5d: {  	[sflag:s13] =	ssyncadd.s32 $0xFFFFF000  }
0x5e: {  	_ =	sfence.sel $0x180000  }
0x5f: {  	[bflag:$0x0] =	sbarrier.arrive $0xFFFF  }
0x60: {  	p0 =	sne.s32 s3, $0x0;
	_ =	strace $0x90000047  }
0x61: {  	s0 =	sadd.s32 @!p0 $0x100000, s0;
	[bflag:$0x2] =	sbarrier.arrive $0xFFFF  }
0x62: {  	[sflag:s0] =	ssyncadd.tile.s32 @!p0 $0x1;
	_ =	shalt  }
.Lfunc_end2:
_tile_overlayer_lowered:
.L_overlay_start_2:
0x63: {  	(tag) =	ssettag $0x2  }
0x64: {  	s0 =	rddreg [dreg:$0x0];
	s2 =	stileid.u32  }
0x65: {  	s1 =	rddreg [dreg:$0x1];
	p0 =	sne.s32 s2, $0x0  }
0x66: {  	s3 =	rddreg [dreg:$0x2];
	[bflag:$0x3] =	sbarrier.arrive $0xFFFF;
	s2 =	simm.s32 @!p0 $0x1C03  }
0x67: {  	[timem:s3], [sflag:s2] =	dma.local @!p0 [hbm:s0], s1  }
0x68: {  	s0 =	simm.s32 @!p0 $0x3  }
0x69: {  	_ =	swait.ge @!p0 [sflag:s0], s1  }
0x6a: {  	s1 =	ssub.s32 @!p0 $0x0, s1;
	[sflag:s0] =	ssyncset.done @!p0 $0x0  }
0x6b: {  	[sflag:s0] =	ssyncadd.s32 @!p0 s1  }
0x6c: {  	[bflag:$0x3] =	sbarrier.arrive $0xFFFF  }
0x6d: {  	_ =	shalt  }

</sc_bundles>
